<compile_context>
chip_gen: v7x
topology: tpu7x:2x2x1
jax: 0.10.2.dev20260603
libtpu: 0.0.44.dev20260713+nightly
codegen_flags: <defaults>
</compile_context>

<pallas_src>
import functools

import jax
import jax.numpy as jnp
from jax import lax
from jax.experimental import pallas as pl
from jax.experimental.pallas import tpu as pltpu
from jax.experimental.pallas import tpu_sc as plsc

_BATCH = 16
_SEQ = 2048
_MAX_SENT = 128
_DIM = 1024

_NUM_CORES = 2
_NUM_SUBCORES = 16
_NUM_WORKERS = _NUM_CORES * _NUM_SUBCORES
_ROWS = _BATCH * _MAX_SENT
_ROWS_PER_WORKER = _ROWS // _NUM_WORKERS
_LANES = 16


def _gather_body(hs_hbm, pos_hbm, out_hbm, idx_v, rows_v, sem):
    wid = lax.axis_index("s") * _NUM_CORES + lax.axis_index("c")
    base = wid * _ROWS_PER_WORKER
    pltpu.sync_copy(pos_hbm.at[pl.ds(base, _ROWS_PER_WORKER)], idx_v)
    offset = (base // _MAX_SENT) * _SEQ
    for r in range(_ROWS_PER_WORKER // _LANES):
        sl = pl.ds(r * _LANES, _LANES)
        idx_v[sl] = idx_v[sl] + offset
    pltpu.async_copy(hs_hbm.at[idx_v], rows_v, sem).wait()
    pltpu.sync_copy(rows_v, out_hbm.at[pl.ds(base, _ROWS_PER_WORKER)])


_gather = functools.partial(
    pl.kernel,
    out_type=jax.ShapeDtypeStruct((_ROWS, _DIM), jnp.float32),
    mesh=plsc.VectorSubcoreMesh(core_axis_name="c", subcore_axis_name="s"),
    scratch_types=[
        pltpu.VMEM((_ROWS_PER_WORKER,), jnp.int32),
        pltpu.VMEM((_ROWS_PER_WORKER, _DIM), jnp.float32),
        pltpu.SemaphoreType.DMA,
    ],
)(_gather_body)


@jax.jit
def kernel(hidden_states, pos):
    hs_flat = hidden_states.reshape(_BATCH * _SEQ, _DIM)
    pos_flat = pos.reshape(_ROWS)
    out = _gather(hs_flat, pos_flat)
    return out.reshape(_BATCH, _MAX_SENT, _DIM)

# --- scband reference (transcript-rebuilt; emitter-appended) ---
"""Pipeline reference for scband-special-stack-layer-4045859193032 (READ-ONLY COPY).

The authoritative reference and input builder live on the scoring server;
editing this copy changes nothing except your own understanding.
"""

import jax, jax.numpy as jnp
import numpy as np

BATCH = 16
SEQ = 2048
MAX_SENT = 128
DIM = 1024

def setup_inputs(seed: int = 0) -> dict:
    key = jax.random.key(seed)
    k1, k2 = jax.random.split(key)
    hidden_states = jax.random.normal(k1, (BATCH, SEQ, DIM), dtype=jnp.float32)
    pos = jax.random.randint(k2, (BATCH, MAX_SENT), 0, SEQ, dtype=jnp.int32)
    return {"hidden_states": hidden_states, "pos": pos}

def reference(hidden_states, pos):
    # Faithful to: output[i, j, :] = hidden_states[i, pos[i, j], :]
    # i.e. a per-batch gather along the time axis.
    return jnp.take_along_axis(hidden_states, pos[:, :, None], axis=1)

if __name__ == "__main__":
    import jax
    _d = setup_inputs()
    print(jax.jit(kernel)(*tuple(_d.values())))

</pallas_src>

<mosaic_0001>
#map = affine_map<(d0, d1) -> (0, 0)>
#map1 = affine_map<(d0, d1) -> (0)>
module attributes {stable_mosaic.version = 14 : i64} {
  func.func @_gather_body(%arg0: i32, %arg1: i32, %arg2: memref<32768x1024xf32, #tpu.memory_space<hbm>>, %arg3: memref<2048xi32, #tpu.memory_space<hbm>>, %arg4: memref<2048x1024xf32, #tpu.memory_space<hbm>>, %arg5: memref<64xi32, #tpu.memory_space<vmem>>, %arg6: memref<64x1024xf32, #tpu.memory_space<vmem>>, %arg7: memref<!tpu.dma_semaphore, #tpu.memory_space<semaphore_mem>>) attributes {dimension_semantics = [#tpu.dimension_semantics<core_parallel>, #tpu.dimension_semantics<subcore_parallel>], iteration_bounds = array<i64: 2, 16>, scalar_prefetch = 0 : i64, scratch_operands = 3 : i64, tpu.core_type = #tpu.core_type<sc_vector_subcore>, window_params = [{transform_indices = #map}, {transform_indices = #map1}, {transform_indices = #map}]} {
    %mul3A = arith.constant 2 : i32
    %mul3A_0 = arith.muli %arg1, %mul3A : i32
    %add3A = arith.addi %mul3A_0, %arg0 : i32
    %mul3A_1 = arith.constant 64 : i32
    %mul3A_2 = arith.muli %add3A, %mul3A_1 : i32
    "tpu.region"() ({
      %run_scoped3A = tpu.sem_alloc : memref<!tpu.dma_semaphore, #tpu.memory_space<semaphore_mem>>
      %dma_start3A_59 = tpu.memref_slice %arg3[%mul3A_2] : memref<2048xi32, #tpu.memory_space<hbm>> -> memref<64xi32, #tpu.memory_space<hbm>>
      %dma_start3A_60 = tpu.memref_slice %arg3[%mul3A_2] : memref<2048xi32, #tpu.memory_space<hbm>> -> memref<64xi32, #tpu.memory_space<hbm>>
      tpu.enqueue_dma source(%dma_start3A_60 : memref<64xi32, #tpu.memory_space<hbm>>) target(%arg5 : memref<64xi32, #tpu.memory_space<vmem>>) target_semaphore(%run_scoped3A : memref<!tpu.dma_semaphore, #tpu.memory_space<semaphore_mem>>)
      %dma_wait3A_61 = tpu.memref_slice %arg3[%mul3A_2] : memref<2048xi32, #tpu.memory_space<hbm>> -> memref<64xi32, #tpu.memory_space<hbm>>
      %dma_wait3A_62 = tpu.memref_slice %arg3[%mul3A_2] : memref<2048xi32, #tpu.memory_space<hbm>> -> memref<64xi32, #tpu.memory_space<hbm>>
      tpu.wait_dma2 semaphore(%run_scoped3A : memref<!tpu.dma_semaphore, #tpu.memory_space<semaphore_mem>>) src(%dma_wait3A_62 : memref<64xi32, #tpu.memory_space<hbm>>) dst(%arg5 : memref<64xi32, #tpu.memory_space<vmem>>)
      tpu.yield
    }) : () -> ()
    %jit3A = arith.constant 128 : i32
    %div3A = arith.divsi %mul3A_2, %jit3A : i32
    %sign3A = arith.constant 0 : i32
    %sign3A_3 = arith.cmpi sgt, %mul3A_2, %sign3A : i32
    %sign3A_4 = arith.extui %sign3A_3 : i1 to i32
    %sign3A_5 = arith.constant 0 : i32
    %sign3A_6 = arith.cmpi slt, %mul3A_2, %sign3A_5 : i32
    %sign3A_7 = arith.extui %sign3A_6 : i1 to i32
    %sign3A_8 = arith.subi %sign3A_4, %sign3A_7 : i32
    %sign3A_9 = arith.constant 0 : i32
    %sign3A_10 = arith.cmpi sgt, %jit3A, %sign3A_9 : i32
    %sign3A_11 = arith.extui %sign3A_10 : i1 to i32
    %sign3A_12 = arith.constant 0 : i32
    %sign3A_13 = arith.cmpi slt, %jit3A, %sign3A_12 : i32
    %sign3A_14 = arith.extui %sign3A_13 : i1 to i32
    %sign3A_15 = arith.subi %sign3A_11, %sign3A_14 : i32
    %ne3A = arith.cmpi ne, %sign3A_8, %sign3A_15 : i32
    %rem3A = arith.remsi %mul3A_2, %jit3A : i32
    %ne3A_16 = arith.constant 0 : i32
    %ne3A_17 = arith.cmpi ne, %rem3A, %ne3A_16 : i32
    %and3A = arith.andi %ne3A, %ne3A_17 : i1
    %sub3A = arith.constant 1 : i32
    %sub3A_18 = arith.subi %div3A, %sub3A : i32
    %select_n3A = arith.select %and3A, %sub3A_18, %div3A : i32
    %mul3A_19 = arith.constant 2048 : i32
    %mul3A_20 = arith.muli %select_n3A, %mul3A_19 : i32
    %get3A = arith.constant 0 : index
    %get3A_21 = tpu.vector_load %arg5[%get3A] {strides = array<i32>} : memref<64xi32, #tpu.memory_space<vmem>>, vector<16xi32>,
    %get3A_22 = vector.shape_cast %get3A_21 : vector<16xi32> to vector<16xi32>
    %add3A_23 = vector.broadcast %mul3A_20 : i32 to vector<16xi32>
    %add3A_24 = arith.addi %get3A_22, %add3A_23 : vector<16xi32>
    %swap3A = arith.constant 0 : index
    %swap3A_25 = tpu.vector_load %arg5[%swap3A] {strides = array<i32>} : memref<64xi32, #tpu.memory_space<vmem>>, vector<16xi32>,
    %swap3A_26 = vector.shape_cast %swap3A_25 : vector<16xi32> to vector<16xi32>
    %swap3A_27 = vector.shape_cast %add3A_24 : vector<16xi32> to vector<16xi32>
    tpu.vector_store %arg5[%swap3A], %swap3A_27 {strides = array<i32>} : memref<64xi32, #tpu.memory_space<vmem>>, vector<16xi32>,
    %get3A_28 = arith.constant 16 : index
    %get3A_29 = tpu.vector_load %arg5[%get3A_28] {strides = array<i32>} : memref<64xi32, #tpu.memory_space<vmem>>, vector<16xi32>,
    %get3A_30 = vector.shape_cast %get3A_29 : vector<16xi32> to vector<16xi32>
    %add3A_31 = vector.broadcast %mul3A_20 : i32 to vector<16xi32>
    %add3A_32 = arith.addi %get3A_30, %add3A_31 : vector<16xi32>
    %swap3A_33 = arith.constant 16 : index
    %swap3A_34 = tpu.vector_load %arg5[%swap3A_33] {strides = array<i32>} : memref<64xi32, #tpu.memory_space<vmem>>, vector<16xi32>,
    %swap3A_35 = vector.shape_cast %swap3A_34 : vector<16xi32> to vector<16xi32>
    %swap3A_36 = vector.shape_cast %add3A_32 : vector<16xi32> to vector<16xi32>
    tpu.vector_store %arg5[%swap3A_33], %swap3A_36 {strides = array<i32>} : memref<64xi32, #tpu.memory_space<vmem>>, vector<16xi32>,
    %get3A_37 = arith.constant 32 : index
    %get3A_38 = tpu.vector_load %arg5[%get3A_37] {strides = array<i32>} : memref<64xi32, #tpu.memory_space<vmem>>, vector<16xi32>,
    %get3A_39 = vector.shape_cast %get3A_38 : vector<16xi32> to vector<16xi32>
    %add3A_40 = vector.broadcast %mul3A_20 : i32 to vector<16xi32>
    %add3A_41 = arith.addi %get3A_39, %add3A_40 : vector<16xi32>
    %swap3A_42 = arith.constant 32 : index
    %swap3A_43 = tpu.vector_load %arg5[%swap3A_42] {strides = array<i32>} : memref<64xi32, #tpu.memory_space<vmem>>, vector<16xi32>,
    %swap3A_44 = vector.shape_cast %swap3A_43 : vector<16xi32> to vector<16xi32>
    %swap3A_45 = vector.shape_cast %add3A_41 : vector<16xi32> to vector<16xi32>
    tpu.vector_store %arg5[%swap3A_42], %swap3A_45 {strides = array<i32>} : memref<64xi32, #tpu.memory_space<vmem>>, vector<16xi32>,
    %get3A_46 = arith.constant 48 : index
    %get3A_47 = tpu.vector_load %arg5[%get3A_46] {strides = array<i32>} : memref<64xi32, #tpu.memory_space<vmem>>, vector<16xi32>,
    %get3A_48 = vector.shape_cast %get3A_47 : vector<16xi32> to vector<16xi32>
    %add3A_49 = vector.broadcast %mul3A_20 : i32 to vector<16xi32>
    %add3A_50 = arith.addi %get3A_48, %add3A_49 : vector<16xi32>
    %swap3A_51 = arith.constant 48 : index
    %swap3A_52 = tpu.vector_load %arg5[%swap3A_51] {strides = array<i32>} : memref<64xi32, #tpu.memory_space<vmem>>, vector<16xi32>,
    %swap3A_53 = vector.shape_cast %swap3A_52 : vector<16xi32> to vector<16xi32>
    %swap3A_54 = vector.shape_cast %add3A_50 : vector<16xi32> to vector<16xi32>
    tpu.vector_store %arg5[%swap3A_51], %swap3A_54 {strides = array<i32>} : memref<64xi32, #tpu.memory_space<vmem>>, vector<16xi32>,
    %dma_start3A = arith.constant 0 : i32
    %dma_start3A_55 = arith.constant 0 : i32
    %dma_start3A_56 = tpu.memref_slice %arg2[%dma_start3A, %dma_start3A_55] : memref<32768x1024xf32, #tpu.memory_space<hbm>> -> memref<32768x1024xf32, #tpu.memory_space<hbm>>
    tpu.enqueue_indirect_dma source(%dma_start3A_56 : memref<32768x1024xf32, #tpu.memory_space<hbm>>) target(%arg6 : memref<64x1024xf32, #tpu.memory_space<vmem>>) offsets(%arg5 : memref<64xi32, #tpu.memory_space<vmem>>) semaphore(%arg7 : memref<!tpu.dma_semaphore, #tpu.memory_space<semaphore_mem>>)
    %dma_wait3A = arith.constant 0 : i32
    %dma_wait3A_57 = arith.constant 0 : i32
    %dma_wait3A_58 = tpu.memref_slice %arg2[%dma_wait3A, %dma_wait3A_57] : memref<32768x1024xf32, #tpu.memory_space<hbm>> -> memref<32768x1024xf32, #tpu.memory_space<hbm>>
    tpu.wait_indirect_dma semaphore(%arg7 : memref<!tpu.dma_semaphore, #tpu.memory_space<semaphore_mem>>) src(%dma_wait3A_58 : memref<32768x1024xf32, #tpu.memory_space<hbm>>) dst(%arg6 : memref<64x1024xf32, #tpu.memory_space<vmem>>)
    "tpu.region"() ({
      %run_scoped3A = tpu.sem_alloc : memref<!tpu.dma_semaphore, #tpu.memory_space<semaphore_mem>>
      %dma_start3A_59 = arith.constant 0 : i32
      %dma_start3A_60 = tpu.memref_slice %arg4[%mul3A_2, %dma_start3A_59] : memref<2048x1024xf32, #tpu.memory_space<hbm>> -> memref<64x1024xf32, #tpu.memory_space<hbm>>
      %dma_start3A_61 = arith.constant 0 : i32
      %dma_start3A_62 = tpu.memref_slice %arg4[%mul3A_2, %dma_start3A_61] : memref<2048x1024xf32, #tpu.memory_space<hbm>> -> memref<64x1024xf32, #tpu.memory_space<hbm>>
      tpu.enqueue_dma source(%arg6 : memref<64x1024xf32, #tpu.memory_space<vmem>>) target(%dma_start3A_62 : memref<64x1024xf32, #tpu.memory_space<hbm>>) target_semaphore(%run_scoped3A : memref<!tpu.dma_semaphore, #tpu.memory_space<semaphore_mem>>)
      %dma_wait3A_63 = arith.constant 0 : i32
      %dma_wait3A_64 = tpu.memref_slice %arg4[%mul3A_2, %dma_wait3A_63] : memref<2048x1024xf32, #tpu.memory_space<hbm>> -> memref<64x1024xf32, #tpu.memory_space<hbm>>
      %dma_wait3A_65 = arith.constant 0 : i32
      %dma_wait3A_66 = tpu.memref_slice %arg4[%mul3A_2, %dma_wait3A_65] : memref<2048x1024xf32, #tpu.memory_space<hbm>> -> memref<64x1024xf32, #tpu.memory_space<hbm>>
      tpu.wait_dma2 semaphore(%run_scoped3A : memref<!tpu.dma_semaphore, #tpu.memory_space<semaphore_mem>>) src(%arg6 : memref<64x1024xf32, #tpu.memory_space<vmem>>) dst(%dma_wait3A_66 : memref<64x1024xf32, #tpu.memory_space<hbm>>)
      tpu.yield
    }) : () -> ()
    return
  }
}

</mosaic_0001>

<sc_bundles>
// kernel: kernel.3.cloned.1.call-start
scs
__scs_entry_jumppad:
0x0: {  	(pc) =	sbr.rel $0x88, $3  }
0x1: {  	(tag) =	ssettag $0x0;
	lr =	simm.s32 $0x1  }
0x2: {  	[smem:$0x3F9F] =	sst lr;
	_ =	strace $0xD0000000  }
0x3: {  	_ = 	snop  }
0x4: {  	_ = 	snop  }
0x5: {  	_ = 	snop  }
0x6: {  	_ = 	snop  }
0x7: {  	_ = 	snop  }
__scs_overlays_trampoline_lowered:
0x8: {  	[smem:$0x3FAE] =	sst s0  }
0x9: {  	[smem:$0x3FAF] =	sst s1  }
0xa: {  	[smem:$0x3FB0] =	sst s2  }
0xb: {  	[smem:$0x3FB1] =	sst s3  }
0xc: {  	[smem:$0x3FB2] =	sst s4  }
0xd: {  	[smem:$0x3FB3] =	sst s5  }
0xe: {  	[smem:$0x3FB4] =	sst s6  }
0xf: {  	[smem:$0x3FB5] =	sst s7  }
0x10: {  	[smem:$0x3FB6] =	sst s8  }
0x11: {  	[smem:$0x3FB7] =	sst s9;
	s0 =	simm.s32 @!p0 $0x0  }
0x12: {  	s1 =	sld [smem:$0x3F9D];
	s0 =	simm.s32 @p0 $0x1  }
0x13: {  	[smem:$0x3FB8] =	sst s0;
	s0 =	simm.s32 @!p1 $0x0  }
0x14: {  	s2 =	sld [smem:$0x3F9C];
	s0 =	simm.s32 @p1 $0x1  }
0x15: {  	[smem:$0x3FB9] =	sst s0;
	s0 =	simm.s32 @!p2 $0x0  }
0x16: {  	s3 =	sld [smem:$0x3FDB];
	s0 =	simm.s32 @p2 $0x1  }
0x17: {  	s4 =	simm.s32 $0x1BF5;
	[smem:$0x3FBB] =	sst s0  }
0x18: {  	s0 =	sld [smem:$0x3F9E];
	_ =	swait.ge [sflag:s4], $0x0  }
0x19: {  	s7 =	sld [smem:$0x3F9F]  }
0x1a: {  	s8 =	sadd.s32 $0xFFFFE003, lr  }
0x1b: {  	s9 =	sadd.s32 $0xFFFFFEF7, lr;
	s5 =	simm.s32 $0xFFFFFFFF;
	p2 =	slt.u32 s8, $0xFFFFF086  }
0x1c: {  	p1 =	slt.u32 s9, $0xF7A;
	s5 =	simm.s32 @!p2 $0x0  }
0x1d: {  	s5 =	simm.s32 @p1 $0x1;
	p0 =	seq.s32 s7, s2  }
0x1e: {  	s7 =	smul.u32 @!p0 $0xF7A, s2;
	p2 =	seq.s32 @!p0 s5, $0x0  }
0x1f: {  	s9 =	smul.u32 $0xF7A, s1;
	s8 =	simm.s32 @!p0 $0x1BF5;
	p2 =	por !p2, p0  }
0x20: {  	[sflag:s8] =	ssyncset.s32 @!p0 $0xFFFFF086;
	s6 =	sadd.s32 @!p0 s3, s7;
	s7 =	simm.s32 @!p0 $0x108  }
0x21: {  	s3 =	sadd.s32 s3, s9;
	s6 =	sadd.s32 @!p0 $0x88, s6;
	s7 =	simm.s32 @p2 $0x1082  }
0x22: {  	[simem:s7], [sflag:s8] =	dma.local @!p0 [hbm:s6], $0xF7A  }
0x23: {  	s9 =	sor.u32 $0xD0000000, s2;
	s6 =	simm.s32 $0x108;
	_ =	swait.ge @!p0 [sflag:s8], $0x0  }
0x24: {  	s3 =	sadd.s32 $0x88, s3;
	s6 =	simm.s32 @!p1 $0x1082;
	[sflag:s4] =	ssyncset.s32 $0xFFFFF086  }
0x25: {  	[simem:s6], [sflag:s4] =	dma.local [hbm:s3], $0xF7A  }
0x26: {  	[smem:$0x3F9F] =	sst s1;
	(tag) =	ssettag s2;
	_ =	strace s9  }
0x27: {  	s1 =	sld [smem:$0x3FAF]  }
0x28: {  	s2 =	sld [smem:$0x3FB0]  }
0x29: {  	s4 =	sld [smem:$0x3FB2]  }
0x2a: {  	p0 =	seq.s32 s5, $0x0;
	s5 =	sld [smem:$0x3FB3]  }
0x2b: {  	s6 =	sld [smem:$0x3FB4]  }
0x2c: {  	s7 =	sld [smem:$0x3FB5]  }
0x2d: {  	s3 =	simm.s32 $0x108;
	s8 =	sld [smem:$0x3FB6]  }
0x2e: {  	s3 =	simm.s32 @!p0 $0x1082;
	s9 =	sld [smem:$0x3FB7]  }
0x2f: {  	lr =	sadd.s32 s0, s3;
	s0 =	sld [smem:$0x3FAE]  }
0x30: {  	s3 =	sld [smem:$0x3FB1]  }
0x31: {  	[smem:$0x3FBA] =	sst s10  }
0x32: {  	s10 =	sld [smem:$0x3FB8];
	_ =	sdelay $0x3  }
0x33: {  	p0 =	seq.s32 s10, $0x1;
	s10 =	sld [smem:$0x3FBA];
	_ =	sdelay $0x3  }
0x34: {  	[smem:$0x3FBA] =	sst s10  }
0x35: {  	s10 =	sld [smem:$0x3FB9];
	_ =	sdelay $0x3  }
0x36: {  	p1 =	seq.s32 s10, $0x1;
	s10 =	sld [smem:$0x3FBA];
	_ =	sdelay $0x3  }
0x37: {  	[smem:$0x3FBA] =	sst s10  }
0x38: {  	s10 =	sld [smem:$0x3FBB]  }
0x39: {  	_ = 	snop;
	(pc) =	sbr.ind lr, $3  }
0x3a: {  	_ = 	snop  }
0x3b: {  	_ = 	snop  }
0x3c: {  	p2 =	seq.s32 s10, $0x1;
	s10 =	sld [smem:$0x3FBA]  }
0x3d: {  	_ =	shalt  }
0x3e: {  	_ =	shalt  }
0x3f: {  	_ =	shalt  }
0x40: {  	_ =	shalt  }
0x41: {  	_ =	shalt  }
0x42: {  	_ =	shalt  }
0x43: {  	_ =	shalt  }
0x44: {  	_ =	shalt  }
0x45: {  	_ =	shalt  }
0x46: {  	_ =	shalt  }
0x47: {  	_ =	shalt  }
0x48: {  	_ =	shalt  }
0x49: {  	_ =	shalt  }
0x4a: {  	_ =	shalt  }
0x4b: {  	_ =	shalt  }
0x4c: {  	_ =	shalt  }
0x4d: {  	_ =	shalt  }
0x4e: {  	_ =	shalt  }
0x4f: {  	_ =	shalt  }
0x50: {  	_ =	shalt  }
0x51: {  	_ =	shalt  }
0x52: {  	_ =	shalt  }
0x53: {  	_ =	shalt  }
0x54: {  	_ =	shalt  }
0x55: {  	_ =	shalt  }
0x56: {  	_ =	shalt  }
0x57: {  	_ =	shalt  }
0x58: {  	_ =	shalt  }
0x59: {  	_ =	shalt  }
0x5a: {  	_ =	shalt  }
0x5b: {  	_ =	shalt  }
0x5c: {  	_ =	shalt  }
0x5d: {  	_ =	shalt  }
0x5e: {  	_ =	shalt  }
0x5f: {  	_ =	shalt  }
0x60: {  	_ =	shalt  }
0x61: {  	_ =	shalt  }
0x62: {  	_ =	shalt  }
0x63: {  	_ =	shalt  }
0x64: {  	_ =	shalt  }
0x65: {  	_ =	shalt  }
0x66: {  	_ =	shalt  }
0x67: {  	_ =	shalt  }
0x68: {  	_ =	shalt  }
0x69: {  	_ =	shalt  }
0x6a: {  	_ =	shalt  }
0x6b: {  	_ =	shalt  }
0x6c: {  	_ =	shalt  }
0x6d: {  	_ =	shalt  }
0x6e: {  	_ =	shalt  }
0x6f: {  	_ =	shalt  }
0x70: {  	_ =	shalt  }
0x71: {  	_ =	shalt  }
0x72: {  	_ =	shalt  }
0x73: {  	_ =	shalt  }
0x74: {  	_ =	shalt  }
0x75: {  	_ =	shalt  }
0x76: {  	_ =	shalt  }
0x77: {  	_ =	shalt  }
0x78: {  	_ =	shalt  }
0x79: {  	_ =	shalt  }
0x7a: {  	_ =	shalt  }
0x7b: {  	_ =	shalt  }
0x7c: {  	_ =	shalt  }
0x7d: {  	_ =	shalt  }
0x7e: {  	_ =	shalt  }
0x7f: {  	_ =	shalt  }
0x80: {  	_ =	shalt  }
0x81: {  	_ =	shalt  }
0x82: {  	_ =	shalt  }
0x83: {  	_ =	shalt  }
0x84: {  	_ =	shalt  }
0x85: {  	_ =	shalt  }
0x86: {  	_ =	shalt  }
0x87: {  	_ =	shalt  }
.Lfunc_end0:
.L_simem_size_0:
called_computation_lowered:
.L_overlay_start_0:
0x88: {  	s2 =	sld [smem:$0x3FD9]  }
0x89: {  	s3 =	sld [smem:$0x3FFE];
	_ =	sdelay $0x1  }
0x8a: {  	s1 =	srdreg.scid  }
0x8b: {  	s0 =	sand.u32 $0x1, s1  }
0x8c: {  	s18 =	sshll.u32 s0, $0xA;
	s2 =	sadd.s32 s3, s2  }
0x8d: {  	s2 =	sadd.s32 s2, s18  }
0x8e: {  	[smem:$0x3FC6] =	sst s2  }
0x8f: {  	_ = 	snop  }
0x90: {  	s2 =	sld [smem:$0x3FC9]  }
0x91: {  	s19 =	sld [smem:$0x3FC8]  }
0x92: {  	s4 =	sld [smem:$0x3FD0];
	(tm) =	ssettm $0x1  }
0x93: {  	s5 =	sld [smem:$0x3FFB];
	_ =	sdelay $0x3  }
0x94: {  	_ =	strace s5  }
0x95: {  	s5 =	sld [smem:$0x3FFC];
	_ =	sdelay $0x3  }
0x96: {  	_ =	strace s5  }
0x97: {  	s5 =	sld [smem:$0x3FFD];
	_ =	sdelay $0x3  }
0x98: {  	_ =	strace s5  }
0x99: {  	_ =	strace $0x8FFFFFFF  }
0x9a: {  	s20 =	sld [smem:$0x3FDB];
	_ =	sdelay $0x1  }
0x9b: {  	s6 =	simm.s32 $_scs_section_size  }
0x9c: {  	s7 =	simm.s32 $_size__tile_overlayer_lowered;
	s8 =	simm.s32 $_tile_overlayer_lowered  }
0x9d: {  	s23 =	simm.s32 $0x1BFF;
	s22 =	sshll.u32 s8, $0x1;
	s5 =	sadd.s32 s6, s20  }
0x9e: {  	s9 =	simm.s32 $0x0;
	s21 =	sshll.u32 s7, $0x1;
	s7 =	sadd.s32 s22, s5  }
0x9f: {  	[timem:s9], [sflag:s23] =	dma.local [hbm:s7], s21  }
0xa0: {  	_ =	swait.ge [sflag:s23], s21  }
0xa1: {  	s6 =	ssub.s32 $0x0, s21;
	[sflag:s23] =	ssyncset.done $0x0  }
0xa2: {  	[sflag:s23] =	ssyncadd.s32 s6;
	_ =	sdelay $0x1  }
0xa3: {  	s24 =	simm.s32 $0x1B8B  }
0xa4: {  	_ =	swait.ge [sflag:s24], $0x1  }
0xa5: {  	[sflag:s24] =	ssyncset.done $0x0  }
0xa6: {  	s25 =	simm.s32 $0x1B8E;
	[sflag:s24] =	ssyncadd.s32 $0xFFFFFFFF  }
0xa7: {  	s26 =	simm.s32 $execute0_lowered;
	[smem:$0x3FD2] =	sst s25  }
0xa8: {  	s6 =	sshll.u32 s26, $0x1;
	_ =	strace $0x80000046;
	[dreg:$0x1] =	wrdreg $0xFFFFFFFF  }
0xa9: {  	s28 =	simm.s32 $_size_execute0_lowered;
	s5 =	sadd.s32 s5, s6;
	[dreg:$0x0] =	wrdreg $0x0  }
0xaa: {  	s6 =	sshll.u32 s28, $0x1;
	[dreg:$0x2] =	wrdreg s5  }
0xab: {  	[dreg:$0x3] =	wrdreg s6  }
0xac: {  	[dreg:$0x4] =	wrdreg $0xC0  }
0xad: {  	_ =	task [dreg:s9], $0x5FFFF  }
0xae: {  	[dreg:$0x1] =	wrdreg $0xFFFFFFFF  }
0xaf: {  	[dreg:$0x0] =	wrdreg $0x60  }
0xb0: {  	[dreg:$0x2] =	wrdreg s2  }
0xb1: {  	[dreg:$0x3] =	wrdreg s19  }
0xb2: {  	[dreg:$0x4] =	wrdreg s4  }
0xb3: {  	[dreg:$0x5] =	wrdreg $0x9  }
0xb4: {  	_ =	task.clear_ibuf [dreg:s9], $0x6FFFF;
	_ =	strace $0x90000046  }
0xb5: {  	s29 =	simm.s32 $0x9;
	_ =	strace $0x80000048  }
0xb6: {  	_ =	swait.ge [sflag:s29], $0x1  }
0xb7: {  	[sflag:s29] =	ssyncadd.s32 $0xFFFFFFFF  }
0xb8: {  	_ =	strace $0x90000048  }
0xb9: {  	_ =	sfence  }
0xba: {  	s30 =	sld [smem:$0x0];
	_ =	sdelay $0x2  }
0xbb: {  	s31 =	sshll.u32 s1, $0xD;
	s1 =	sshrl.u32 s1, $0x2  }
0xbc: {  	s3 =	sand.u32 $0x4000, s31;
	s1 =	sadd.s32 s1, s30  }
0xbd: {  	s0 =	sor.u32 s3, s0;
	s1 =	sshll.u32 s1, $0x11  }
0xbe: {  	s0 =	sor.u32 s1, s0  }
0xbf: {  	s0 =	sadd.s32 $0x8F2B, s0  }
0xc0: {  	[sflag:s0] =	ssyncadd.remote.s32 $0x1  }
0xc1: {  	_ =	sfence.sel $0xFFFF  }
0xc2: {  	[dreg:$0x0] =	wrdreg $0xFFFFFFFF;
	(pc) =	sbr.abs _section_cstart, $3  }
0xc3: {  	[dreg:$0x1] =	wrdreg $0xFFFFFFFF  }
0xc4: {  	_ =	task.clear_ibuf [dreg:s9], $0x2FFFF;
	_ =	strace $0x9FFFFFFF  }
0xc5: {  	(tm) =	ssettm $0x7FFFFFFF  }
tec
execute0_lowered:
.L_overlay_start_1:
0x0: {  	(tag) =	ssettag $0x1  }
0x1: {  	s2 =	rddreg [dreg:$0x0]  }
0x2: {  	s0 =	rddreg [dreg:$0x1]  }
0x3: {  	s3 =	srdreg.scid;
	s4 =	rddreg [dreg:$0x2]  }
0x4: {  	s1 =	stileid.u32;
	s16 =	simm.s32 $0x880;
	s17 =	simm.s32 $0x1080  }
0x5: {  	s18 =	simm.s32 $0x1880;
	s5 =	sand.u32 $0x1, s3;
	s3 =	simm.s32 $0x0  }
0x6: {  	s19 =	simm.s32 $0x2080;
	s20 =	simm.s32 $0x2880;
	[smem:$0x7FF] =	sst s3  }
0x7: {  	s21 =	simm.s32 $0x3080;
	_ =	strace $0x80000047;
	[dreg:$0x6] =	wrdreg s16  }
0x8: {  	s22 =	simm.s32 $0x3880;
	s23 =	simm.s32 $0x4080;
	[dreg:$0x7] =	wrdreg s17  }
0x9: {  	s24 =	simm.s32 $0x4880;
	s25 =	simm.s32 $0x5080;
	[dreg:$0x8] =	wrdreg s18  }
0xa: {  	s10 =	simm.s32 $0x80;
	s12 =	simm.s32 $0x6080;
	[dreg:$0x9] =	wrdreg s19  }
0xb: {  	s28 =	simm.s32 $0xD880;
	s29 =	simm.s32 $0xE080;
	[dreg:$0xa] =	wrdreg s20  }
0xc: {  	s30 =	simm.s32 $0xE880;
	s31 =	simm.s32 $0xF080;
	[dreg:$0xb] =	wrdreg s21  }
0xd: {  	s6 =	sshll.u32 s1, $0x7;
	s7 =	sshll.u32 s5, $0x6;
	[dreg:$0xc] =	wrdreg s22  }
0xe: {  	s8 =	ssub.s32 $0x2, s5;
	p1 =	seq.s32 s5, $0x1;
	[dreg:$0xd] =	wrdreg s23  }
0xf: {  	s5 =	simm.s32 $0x1;
	s6 =	sor.u32 s7, s6;
	[dreg:$0xe] =	wrdreg s24  }
0x10: {  	s13 =	sshrl.u32 s8, $0x1;
	s7 =	sadd.s32 $0x300, s2;
	[dreg:$0xf] =	wrdreg s25  }
0x11: {  	s16 =	simm.s32 $0x8080;
	s17 =	simm.s32 $0x8880;
	s18 =	simm.s32 $0x9080  }
0x12: {  	s19 =	simm.s32 $0x9880;
	s20 =	simm.s32 $0xA080;
	s21 =	simm.s32 $0xA880  }
0x13: {  	s22 =	simm.s32 $0xB080;
	s23 =	simm.s32 $0xB880;
	s24 =	simm.s32 $0xC080  }
0x14: {  	s25 =	simm.s32 $0xC880;
	s9 =	sshrl.u32 s6, $0x3;
	s8 =	ssub.s32 s8, s13  }
0x15: {  	p0 =	seq.s32 s6, $0x0;
	s14 =	sshll.u32 s6, $0x7;
	s6 =	sadd.s32 $0x200, s2  }
0x16: {  	s13 =	simm.s32 $0x6880;
	s0 =	sadd.s32 s0, s9;
	p0 =	por !p0, !p1  }
0x17: {  	s15 =	sadd.s32 s4, s14;
	s4 =	simm.s32 $0x1;
	p0 =	por !p0, !p0  }
0x18: {  	s8 =	smax.u32 s8, $0x1;
	s9 =	simm.s32 $0x2;
	s5 =	simm.s32 @!p0 $0x0  }
0x19: {  	v3 =	vlaneseq.u32;
	s14 =	simm.s32 $0x7080;
	[dreg:$0x4] =	wrdreg s0;
	s5 =	ssub.s32 s1, s5  }
0x1a: {  	vm0 =	vmmov $0xffff;
	v1 =	vand.u32 $0x7, v3;
	v2 =	vshrl.u32 v3, $0x3;
	[dreg:$0x5] =	wrdreg s15;
	s15 =	simm.s32 $0x7880;
	s26 =	sshll.u32 s5, $0xB  }
0x1b: {  	v3 =	vor.u32 $0x8, v3;
	v2 =	vmul.u32 $0x8, v2;
	s0 =	simm.s32 $0xF880;
	s5 =	sadd.s32 $0x100, s2;
	v0 =	vmov s26;
	s26 =	simm.s32 $0xD080  }
.LBB2_1:
0x1c: {  	s1 =	rddreg [dreg:$0x4]  }
0x1d: {  	[tilespmem:s3], [sflag:$0x2] =	stream.linear.gather [hbm4b:s1+s3], $0x40, $0x38;
	[tilespmem:$0x10080] =	vst v63  }
0x1e: {  	_ =	swait.ge [sflag:s9], $0x40  }
0x1f: {  	[sflag:s9] =	ssyncset.done $0x0  }
0x20: {  	[sflag:s9] =	ssyncadd.s32 $0xFFFFFFC0  }
0x21: {  	v4 =	vld [tilespmem:$0x0];
	_ =	sdelay $0x4  }
0x22: {  	v5 =	vadd.s32 v0, v4  }
0x23: {  	v6 =	vshll.u32 v5, $0x3  }
0x24: {  	v7 =	vld [tilespmem:$0x10];
	v4 =	vand.u32 $0x7, v4;
	v6 =	vand.u32 $0xFFFFFFC0, v6  }
0x25: {  	v8 =	vld [tilespmem:$0x20];
	v4 =	vor.u32 v4, v6  }
0x26: {  	v63 =	vld [tilespmem:$0x30];
	v9 =	vperm.xlane v4, v1;
	_ =	sdelay $0x1  }
0x27: {  	v9 =	vadd.s32 v2, v9  }
0x28: {  	[tilespmem:$0x0] =	vst v5;
	v5 =	vadd.s32 v0, v7  }
0x29: {  	[tilespmem:$0x10] =	vst v5;
	v5 =	vadd.s32 v0, v8  }
0x2a: {  	[tilespmem:$0x20] =	vst v5;
	v5 =	vadd.s32 v0, v63  }
0x2b: {  	[tilespmem:$0x30] =	vst v5  }
0x2c: {  	[tilespmem:s10], [sflag:$0x1] =	stream.indirect_vreg.gather [hbm4b:s2+s3], $0x80, v9, vm0, $0xb8;
	[tilespmem:$0x10080] =	vst v63  }
0x2d: {  	s1 =	rddreg [dreg:$0x6];
	v4 =	vperm.xlane v4, v3  }
0x2e: {  	[tilespmem:s1], [sflag:$0x1] =	stream.indirect_vreg.gather [hbm4b:s5+s3], $0x80, v9, vm0, $0xb8;
	[tilespmem:$0x10080] =	vst v63  }
0x2f: {  	s11 =	rddreg [dreg:$0x7];
	v4 =	vadd.s32 v2, v4  }
0x30: {  	[tilespmem:s11], [sflag:$0x1] =	stream.indirect_vreg.gather [hbm4b:s6+s3], $0x80, v9, vm0, $0xb8;
	[tilespmem:$0x10080] =	vst v63  }
0x31: {  	s1 =	rddreg [dreg:$0x8]  }
0x32: {  	[tilespmem:s1], [sflag:$0x1] =	stream.indirect_vreg.gather [hbm4b:s7+s3], $0x80, v9, vm0, $0xb8;
	[tilespmem:$0x10080] =	vst v63  }
0x33: {  	s11 =	rddreg [dreg:$0x9]  }
0x34: {  	[tilespmem:s11], [sflag:$0x1] =	stream.indirect_vreg.gather [hbm4b:s2+s3], $0x80, v4, vm0, $0xb8;
	[tilespmem:$0x10080] =	vst v63  }
0x35: {  	s1 =	rddreg [dreg:$0xa]  }
0x36: {  	[tilespmem:s1], [sflag:$0x1] =	stream.indirect_vreg.gather [hbm4b:s5+s3], $0x80, v4, vm0, $0xb8;
	[tilespmem:$0x10080] =	vst v63  }
0x37: {  	s11 =	rddreg [dreg:$0xb]  }
0x38: {  	[tilespmem:s11], [sflag:$0x1] =	stream.indirect_vreg.gather [hbm4b:s6+s3], $0x80, v4, vm0, $0xb8;
	[tilespmem:$0x10080] =	vst v63  }
0x39: {  	s1 =	rddreg [dreg:$0xc]  }
0x3a: {  	[tilespmem:s1], [sflag:$0x1] =	stream.indirect_vreg.gather [hbm4b:s7+s3], $0x80, v4, vm0, $0xb8;
	[tilespmem:$0x10080] =	vst v63  }
0x3b: {  	v4 =	vld [tilespmem:$0x10];
	_ =	sdelay $0x4  }
0x3c: {  	v5 =	vshll.u32 v4, $0x3  }
0x3d: {  	v4 =	vand.u32 $0x7, v4;
	v5 =	vand.u32 $0xFFFFFFC0, v5  }
0x3e: {  	v4 =	vor.u32 v4, v5  }
0x3f: {  	v5 =	vperm.xlane v4, v1;
	_ =	sdelay $0x1  }
0x40: {  	v5 =	vadd.s32 v2, v5;
	_ =	sdelay $0x3  }
0x41: {  	s1 =	rddreg [dreg:$0xd]  }
0x42: {  	[tilespmem:s1], [sflag:$0x1] =	stream.indirect_vreg.gather [hbm4b:s2+s3], $0x80, v5, vm0, $0xb8;
	[tilespmem:$0x10080] =	vst v63  }
0x43: {  	s11 =	rddreg [dreg:$0xe];
	v4 =	vperm.xlane v4, v3  }
0x44: {  	[tilespmem:s11], [sflag:$0x1] =	stream.indirect_vreg.gather [hbm4b:s5+s3], $0x80, v5, vm0, $0xb8;
	[tilespmem:$0x10080] =	vst v63  }
0x45: {  	v4 =	vadd.s32 v2, v4;
	s1 =	rddreg [dreg:$0xf]  }
0x46: {  	[tilespmem:s1], [sflag:$0x1] =	stream.indirect_vreg.gather [hbm4b:s6+s3], $0x80, v5, vm0, $0xb8;
	[tilespmem:$0x10080] =	vst v63  }
0x47: {  	s11 =	simm.s32 $0x5880  }
0x48: {  	[tilespmem:s11], [sflag:$0x1] =	stream.indirect_vreg.gather [hbm4b:s7+s3], $0x80, v5, vm0, $0xb8;
	[tilespmem:$0x10080] =	vst v63  }
0x49: {  	_ = 	snop  }
0x4a: {  	[tilespmem:s12], [sflag:$0x1] =	stream.indirect_vreg.gather [hbm4b:s2+s3], $0x80, v4, vm0, $0xb8;
	[tilespmem:$0x10080] =	vst v63  }
0x4b: {  	_ = 	snop  }
0x4c: {  	[tilespmem:s13], [sflag:$0x1] =	stream.indirect_vreg.gather [hbm4b:s5+s3], $0x80, v4, vm0, $0xb8;
	[tilespmem:$0x10080] =	vst v63  }
0x4d: {  	_ = 	snop  }
0x4e: {  	[tilespmem:s14], [sflag:$0x1] =	stream.indirect_vreg.gather [hbm4b:s6+s3], $0x80, v4, vm0, $0xb8;
	[tilespmem:$0x10080] =	vst v63  }
0x4f: {  	_ = 	snop  }
0x50: {  	[tilespmem:s15], [sflag:$0x1] =	stream.indirect_vreg.gather [hbm4b:s7+s3], $0x80, v4, vm0, $0xb8;
	[tilespmem:$0x10080] =	vst v63  }
0x51: {  	v4 =	vld [tilespmem:$0x20];
	_ =	sdelay $0x4  }
0x52: {  	v5 =	vshll.u32 v4, $0x3  }
0x53: {  	v4 =	vand.u32 $0x7, v4;
	v5 =	vand.u32 $0xFFFFFFC0, v5  }
0x54: {  	v4 =	vor.u32 v4, v5  }
0x55: {  	v5 =	vperm.xlane v4, v1;
	_ =	sdelay $0x1  }
0x56: {  	v5 =	vadd.s32 v2, v5;
	_ =	sdelay $0x4  }
0x57: {  	[tilespmem:s16], [sflag:$0x1] =	stream.indirect_vreg.gather [hbm4b:s2+s3], $0x80, v5, vm0, $0xb8;
	[tilespmem:$0x10080] =	vst v63  }
0x58: {  	v4 =	vperm.xlane v4, v3  }
0x59: {  	[tilespmem:s17], [sflag:$0x1] =	stream.indirect_vreg.gather [hbm4b:s5+s3], $0x80, v5, vm0, $0xb8;
	[tilespmem:$0x10080] =	vst v63  }
0x5a: {  	v4 =	vadd.s32 v2, v4  }
0x5b: {  	[tilespmem:s18], [sflag:$0x1] =	stream.indirect_vreg.gather [hbm4b:s6+s3], $0x80, v5, vm0, $0xb8;
	[tilespmem:$0x10080] =	vst v63  }
0x5c: {  	_ = 	snop  }
0x5d: {  	[tilespmem:s19], [sflag:$0x1] =	stream.indirect_vreg.gather [hbm4b:s7+s3], $0x80, v5, vm0, $0xb8;
	[tilespmem:$0x10080] =	vst v63  }
0x5e: {  	_ = 	snop  }
0x5f: {  	[tilespmem:s20], [sflag:$0x1] =	stream.indirect_vreg.gather [hbm4b:s2+s3], $0x80, v4, vm0, $0xb8;
	[tilespmem:$0x10080] =	vst v63  }
0x60: {  	_ = 	snop  }
0x61: {  	[tilespmem:s21], [sflag:$0x1] =	stream.indirect_vreg.gather [hbm4b:s5+s3], $0x80, v4, vm0, $0xb8;
	[tilespmem:$0x10080] =	vst v63  }
0x62: {  	_ = 	snop  }
0x63: {  	[tilespmem:s22], [sflag:$0x1] =	stream.indirect_vreg.gather [hbm4b:s6+s3], $0x80, v4, vm0, $0xb8;
	[tilespmem:$0x10080] =	vst v63  }
0x64: {  	_ = 	snop  }
0x65: {  	[tilespmem:s23], [sflag:$0x1] =	stream.indirect_vreg.gather [hbm4b:s7+s3], $0x80, v4, vm0, $0xb8;
	[tilespmem:$0x10080] =	vst v63  }
0x66: {  	v4 =	vld [tilespmem:$0x30];
	_ =	sdelay $0x4  }
0x67: {  	v5 =	vshll.u32 v4, $0x3  }
0x68: {  	v4 =	vand.u32 $0x7, v4;
	v5 =	vand.u32 $0xFFFFFFC0, v5  }
0x69: {  	v4 =	vor.u32 v4, v5  }
0x6a: {  	v5 =	vperm.xlane v4, v1;
	_ =	sdelay $0x1  }
0x6b: {  	v5 =	vadd.s32 v2, v5;
	_ =	sdelay $0x4  }
0x6c: {  	[tilespmem:s24], [sflag:$0x1] =	stream.indirect_vreg.gather [hbm4b:s2+s3], $0x80, v5, vm0, $0xb8;
	[tilespmem:$0x10080] =	vst v63  }
0x6d: {  	v4 =	vperm.xlane v4, v3  }
0x6e: {  	[tilespmem:s25], [sflag:$0x1] =	stream.indirect_vreg.gather [hbm4b:s5+s3], $0x80, v5, vm0, $0xb8;
	[tilespmem:$0x10080] =	vst v63  }
0x6f: {  	v4 =	vadd.s32 v2, v4  }
0x70: {  	[tilespmem:s26], [sflag:$0x1] =	stream.indirect_vreg.gather [hbm4b:s6+s3], $0x80, v5, vm0, $0xb8;
	[tilespmem:$0x10080] =	vst v63  }
0x71: {  	_ = 	snop  }
0x72: {  	[tilespmem:s28], [sflag:$0x1] =	stream.indirect_vreg.gather [hbm4b:s7+s3], $0x80, v5, vm0, $0xb8;
	[tilespmem:$0x10080] =	vst v63  }
0x73: {  	_ = 	snop  }
0x74: {  	[tilespmem:s29], [sflag:$0x1] =	stream.indirect_vreg.gather [hbm4b:s2+s3], $0x80, v4, vm0, $0xb8;
	[tilespmem:$0x10080] =	vst v63  }
0x75: {  	_ = 	snop  }
0x76: {  	[tilespmem:s30], [sflag:$0x1] =	stream.indirect_vreg.gather [hbm4b:s5+s3], $0x80, v4, vm0, $0xb8;
	[tilespmem:$0x10080] =	vst v63  }
0x77: {  	_ = 	snop  }
0x78: {  	[tilespmem:s31], [sflag:$0x1] =	stream.indirect_vreg.gather [hbm4b:s6+s3], $0x80, v4, vm0, $0xb8;
	[tilespmem:$0x10080] =	vst v63  }
0x79: {  	_ = 	snop  }
0x7a: {  	[tilespmem:s0], [sflag:$0x1] =	stream.indirect_vreg.gather [hbm4b:s7+s3], $0x80, v4, vm0, $0xb8;
	[tilespmem:$0x10080] =	vst v63  }
0x7b: {  	_ =	swait.ge [sflag:s4], $0x10000  }
0x7c: {  	p0 =	sne.s32 s8, $0x1;
	[sflag:s4] =	ssyncset.done $0x0  }
.Ltmp0:
0x7d: {  	s11 =	rddreg [dreg:$0x5];
	[sflag:s4] =	ssyncadd.s32 $0xFFFF0000;
	(pc) =	sbr.rel @p0 .LBB2_1-.Ltmp0, $4  }
0x7e: {  	[hbm4b:s11+s3] =	stream.linear.scatter [tilespmem:s10], [sflag:$0x2], $0x10000, $0x38;
	[tilespmem:$0x10080] =	vst v63  }
0x7f: {  	_ =	swait.ge [sflag:s9], $0x10000  }
0x80: {  	[sflag:s9] =	ssyncset.done $0x0  }
0x81: {  	s8 =	sadd.s32 $0xFFFFFFFF, s8;
	[sflag:s9] =	ssyncadd.s32 $0xFFFF0000  }
0x82: {  	_ =	sfence.sel $0x180000  }
0x83: {  	[bflag:$0x0] =	sbarrier.arrive $0xFFFF  }
0x84: {  	_ =	strace $0x90000047  }
0x85: {  	s0 =	stileid.u32;
	[bflag:$0x2] =	sbarrier.arrive $0xFFFF  }
0x86: {  	p0 =	sne.s32 s0, $0x0;
	s0 =	rddreg [dreg:$0x3]  }
0x87: {  	s0 =	sadd.s32 @!p0 $0x100000, s0  }
0x88: {  	[sflag:s0] =	ssyncadd.tile.s32 @!p0 $0x1;
	_ =	shalt  }
.Lfunc_end2:
_tile_overlayer_lowered:
.L_overlay_start_2:
0x89: {  	(tag) =	ssettag $0x2  }
0x8a: {  	s0 =	rddreg [dreg:$0x0];
	s2 =	stileid.u32  }
0x8b: {  	s1 =	rddreg [dreg:$0x1];
	p0 =	sne.s32 s2, $0x0  }
0x8c: {  	s3 =	rddreg [dreg:$0x2];
	[bflag:$0x3] =	sbarrier.arrive $0xFFFF;
	s2 =	simm.s32 @!p0 $0x1C02  }
0x8d: {  	[timem:s3], [sflag:s2] =	dma.local @!p0 [hbm:s0], s1  }
0x8e: {  	s0 =	simm.s32 @!p0 $0x2  }
0x8f: {  	_ =	swait.ge @!p0 [sflag:s0], s1  }
0x90: {  	s1 =	ssub.s32 @!p0 $0x0, s1;
	[sflag:s0] =	ssyncset.done @!p0 $0x0  }
0x91: {  	[sflag:s0] =	ssyncadd.s32 @!p0 s1  }
0x92: {  	[bflag:$0x3] =	sbarrier.arrive $0xFFFF  }
0x93: {  	_ =	shalt  }

</sc_bundles>
